<compile_context>
chip_gen: v7x
topology: tpu7x:2x2x1
jax: 0.10.2.dev20260603
libtpu: 0.0.44.dev20260713+nightly
codegen_flags: <defaults>
</compile_context>

<pallas_src>
import jax
import jax.numpy as jnp
from jax import lax
from jax.experimental import pallas as pl
from jax.experimental.pallas import tpu as pltpu
from jax.experimental.pallas import tpu_sc as plsc

_B, _H, _S, _D = 16, 16, 4096, 64
_L = 16
_BH = _B * _H
_G = 2
_NW = 32
_SL = _BH // _NW
_CHS = 1024
_NCH = _S // _CHS


def _tc_body(kc, kv, oh, cm, ko):
    mask = cm[...] > 0
    for g in range(_G):
        dk = jax.lax.dot(
            kv[g], oh[...], precision=jax.lax.Precision.HIGHEST,
            preferred_element_type=jnp.float32,
        )
        ko[g] = jnp.where(mask, dk, kc[g])


def _sc_body(vc, pos, alive, vval, vo, idx_v, alive_v, vvb, buf):
    c = lax.axis_index("c")
    s = lax.axis_index("s")
    wid = s * 2 + c
    base = wid * _SL
    pltpu.sync_copy(pos, idx_v)
    pltpu.sync_copy(alive, alive_v)
    lane = lax.iota(jnp.int32, 16)

    def slice_body(i, _):
        bh = base + i
        pltpu.sync_copy(vval.at[bh], vvb)

        def chunk_body(jc, _):
            off = jc * _CHS
            pltpu.sync_copy(vc.at[bh, :, pl.ds(off, _CHS)], buf)

            def pos_body(l, _):
                lsplat = jnp.full((16,), 0, jnp.int32) + l
                psp = plsc.load_gather(idx_v, [lsplat])
                asp = plsc.load_gather(alive_v, [lsplat])
                rel = psp - off
                m = (rel >= 0) & (rel < _CHS) & (asp != 0)
                relc = jnp.clip(rel, 0, _CHS - 1)
                for g in range(4):
                    rows = g * 16 + lane
                    col = plsc.load_gather(vvb, [rows, lsplat])
                    plsc.store_scatter(buf, [rows, relc], col, mask=m)
                return 0

            lax.fori_loop(0, _L, pos_body, 0)
            pltpu.sync_copy(buf, vo.at[bh, :, pl.ds(off, _CHS)])
            return 0

        lax.fori_loop(0, _NCH, chunk_body, 0)
        return 0

    lax.fori_loop(0, _SL, slice_body, 0)


def kernel(k_cache, v_cache, input_pos, k_val, v_val):
    kct = jnp.swapaxes(k_cache, 2, 3).reshape(_BH, _D, _S)
    vct = jnp.swapaxes(v_cache, 2, 3).reshape(_BH, _D, _S)
    kvt = jnp.swapaxes(k_val, 2, 3).reshape(_BH, _D, _L)
    vvt = jnp.swapaxes(v_val, 2, 3).reshape(_BH, _D, _L)

    nxt = jnp.concatenate([input_pos[1:], jnp.full((1,), -1, jnp.int32)])
    alive_b = input_pos != nxt
    alive = alive_b.astype(jnp.int32)
    cols = jax.lax.iota(jnp.int32, _S)
    onehot = (
        (input_pos[:, None] == cols[None, :]) & alive_b[:, None]
    ).astype(jnp.float32)
    colmask = jnp.sum(onehot, axis=0, keepdims=True)

    mesh = plsc.VectorSubcoreMesh(core_axis_name="c", subcore_axis_name="s")
    vo = pl.kernel(
        _sc_body,
        out_type=jax.ShapeDtypeStruct((_BH, _D, _S), jnp.float32),
        mesh=mesh,
        scratch_types=[
            pltpu.VMEM((_L,), jnp.int32),
            pltpu.VMEM((_L,), jnp.int32),
            pltpu.VMEM((_D, _L), jnp.float32),
            pltpu.VMEM((_D, _CHS), jnp.float32),
        ],
        compiler_params=pltpu.CompilerParams(needs_layout_passes=False),
    )(vct, input_pos, alive, vvt)

    grid = (_BH // _G,)
    cache_spec = pl.BlockSpec((_G, _D, _S), lambda i: (i, 0, 0))
    val_spec = pl.BlockSpec((_G, _D, _L), lambda i: (i, 0, 0))
    oh_spec = pl.BlockSpec((_L, _S), lambda i: (0, 0))
    cm_spec = pl.BlockSpec((1, _S), lambda i: (0, 0))
    ko = pl.pallas_call(
        _tc_body,
        grid=grid,
        in_specs=[cache_spec, val_spec, oh_spec, cm_spec],
        out_specs=cache_spec,
        out_shape=jax.ShapeDtypeStruct((_BH, _D, _S), jnp.float32),
        compiler_params=pltpu.CompilerParams(
            dimension_semantics=("parallel",),
        ),
    )(kct, kvt, onehot, colmask)

    ko = jnp.swapaxes(ko.reshape(_B, _H, _D, _S), 2, 3)
    vo = jnp.swapaxes(vo.reshape(_B, _H, _D, _S), 2, 3)
    return ko, vo

# --- scband reference (transcript-rebuilt; emitter-appended) ---
"""Pipeline reference for scband-kvcache-8572754723210 (READ-ONLY COPY).

The authoritative reference and input builder live on the scoring server;
editing this copy changes nothing except your own understanding.
"""

import jax, jax.numpy as jnp
import numpy as np

B, H, S, D = 16, 16, 4096, 64
L = 16

def setup_inputs(seed: int = 0) -> dict:
    key = jax.random.key(seed)
    k1, k2, k3 = jax.random.split(key, 3)
    input_pos = jnp.sort(jax.random.randint(k1, (L,), 0, S, dtype=jnp.int32))
    k_val = jax.random.normal(k2, (B, H, L, D), dtype=jnp.float32)
    v_val = jax.random.normal(k3, (B, H, L, D), dtype=jnp.float32)
    k_cache = jnp.zeros((B, H, S, D), dtype=jnp.float32)
    v_cache = jnp.zeros((B, H, S, D), dtype=jnp.float32)
    return {"k_cache": k_cache, "v_cache": v_cache, "input_pos": input_pos, "k_val": k_val, "v_val": v_val}

def reference(k_cache, v_cache, input_pos, k_val, v_val):
    # KVCache.update: k_out[:, :, input_pos] = k_val ; v_out[:, :, input_pos] = v_val
    k_out = k_cache.at[:, :, input_pos].set(k_val)
    v_out = v_cache.at[:, :, input_pos].set(v_val)
    return (k_out, v_out)

if __name__ == "__main__":
    import jax
    _d = setup_inputs()
    print(jax.jit(kernel)(*tuple(_d.values())))

</pallas_src>

<mosaic_0001>
#map = affine_map<(d0, d1) -> (0, 0, 0)>
#map1 = affine_map<(d0, d1) -> (0)>
module attributes {stable_mosaic.version = 14 : i64} {
  func.func @_sc_body(%arg0: i32, %arg1: i32, %arg2: memref<256x64x4096xf32, #tpu.memory_space<hbm>>, %arg3: memref<16xi32, #tpu.memory_space<hbm>>, %arg4: memref<16xi32, #tpu.memory_space<hbm>>, %arg5: memref<256x64x16xf32, #tpu.memory_space<hbm>>, %arg6: memref<256x64x4096xf32, #tpu.memory_space<hbm>>, %arg7: memref<16xi32, #tpu.memory_space<vmem>>, %arg8: memref<16xi32, #tpu.memory_space<vmem>>, %arg9: memref<64x16xf32, #tpu.memory_space<vmem>>, %arg10: memref<64x1024xf32, #tpu.memory_space<vmem>>) attributes {dimension_semantics = [#tpu.dimension_semantics<core_parallel>, #tpu.dimension_semantics<subcore_parallel>], iteration_bounds = array<i64: 2, 16>, scalar_prefetch = 0 : i64, scratch_operands = 4 : i64, tpu.core_type = #tpu.core_type<sc_vector_subcore>, window_params = [{transform_indices = #map}, {transform_indices = #map1}, {transform_indices = #map1}, {transform_indices = #map}, {transform_indices = #map}]} {
    %mul3A = arith.constant 2 : i32
    %mul3A_0 = arith.muli %arg1, %mul3A : i32
    %add3A = arith.addi %mul3A_0, %arg0 : i32
    %mul3A_1 = arith.constant 8 : i32
    %mul3A_2 = arith.muli %add3A, %mul3A_1 : i32
    "tpu.region"() ({
      %run_scoped3A = tpu.sem_alloc : memref<!tpu.dma_semaphore, #tpu.memory_space<semaphore_mem>>
      tpu.enqueue_dma source(%arg3 : memref<16xi32, #tpu.memory_space<hbm>>) target(%arg7 : memref<16xi32, #tpu.memory_space<vmem>>) target_semaphore(%run_scoped3A : memref<!tpu.dma_semaphore, #tpu.memory_space<semaphore_mem>>)
      tpu.wait_dma2 semaphore(%run_scoped3A : memref<!tpu.dma_semaphore, #tpu.memory_space<semaphore_mem>>) src(%arg3 : memref<16xi32, #tpu.memory_space<hbm>>) dst(%arg7 : memref<16xi32, #tpu.memory_space<vmem>>)
      tpu.yield
    }) : () -> ()
    "tpu.region"() ({
      %run_scoped3A = tpu.sem_alloc : memref<!tpu.dma_semaphore, #tpu.memory_space<semaphore_mem>>
      tpu.enqueue_dma source(%arg4 : memref<16xi32, #tpu.memory_space<hbm>>) target(%arg8 : memref<16xi32, #tpu.memory_space<vmem>>) target_semaphore(%run_scoped3A : memref<!tpu.dma_semaphore, #tpu.memory_space<semaphore_mem>>)
      tpu.wait_dma2 semaphore(%run_scoped3A : memref<!tpu.dma_semaphore, #tpu.memory_space<semaphore_mem>>) src(%arg4 : memref<16xi32, #tpu.memory_space<hbm>>) dst(%arg8 : memref<16xi32, #tpu.memory_space<vmem>>)
      tpu.yield
    }) : () -> ()
    %iota3A = tpu.iota {dimensions = array<i32: 0>} : vector<16xi32>
    %scan3A = arith.constant 0 : i32
    %scan3A_3 = arith.constant 0 : i32
    %scan3A_4 = arith.constant 8 : i32
    %scan3A_5 = arith.addi %scan3A_3, %scan3A_4 : i32
    %scan3A_6 = arith.constant 1 : i32
    %scan3A_7 = scf.for %scan3A_9 = %scan3A_3 to %scan3A_5 step %scan3A_6 iter_args(%scan3A_10 = %scan3A) -> (i32)  : i32 {
      %add3A_11 = arith.addi %mul3A_2, %scan3A_9 : i32
      "tpu.region"() ({
        %run_scoped3A = tpu.sem_alloc : memref<!tpu.dma_semaphore, #tpu.memory_space<semaphore_mem>>
        %dma_start3A = arith.constant 0 : i32
        %dma_start3A_20 = arith.constant 0 : i32
        %dma_start3A_21 = tpu.memref_slice %arg5[%add3A_11, %dma_start3A, %dma_start3A_20] : memref<256x64x16xf32, #tpu.memory_space<hbm>> -> memref<1x64x16xf32, #tpu.memory_space<hbm>>
        %dma_start3A_22 = tpu.memref_squeeze %dma_start3A_21 : memref<1x64x16xf32, #tpu.memory_space<hbm>> -> memref<64x16xf32, #tpu.memory_space<hbm>>
        %dma_start3A_23 = arith.constant 0 : i32
        %dma_start3A_24 = arith.constant 0 : i32
        %dma_start3A_25 = tpu.memref_slice %arg5[%add3A_11, %dma_start3A_23, %dma_start3A_24] : memref<256x64x16xf32, #tpu.memory_space<hbm>> -> memref<1x64x16xf32, #tpu.memory_space<hbm>>
        %dma_start3A_26 = tpu.memref_squeeze %dma_start3A_25 : memref<1x64x16xf32, #tpu.memory_space<hbm>> -> memref<64x16xf32, #tpu.memory_space<hbm>>
        tpu.enqueue_dma source(%dma_start3A_26 : memref<64x16xf32, #tpu.memory_space<hbm>>) target(%arg9 : memref<64x16xf32, #tpu.memory_space<vmem>>) target_semaphore(%run_scoped3A : memref<!tpu.dma_semaphore, #tpu.memory_space<semaphore_mem>>)
        %dma_wait3A = arith.constant 0 : i32
        %dma_wait3A_27 = arith.constant 0 : i32
        %dma_wait3A_28 = tpu.memref_slice %arg5[%add3A_11, %dma_wait3A, %dma_wait3A_27] : memref<256x64x16xf32, #tpu.memory_space<hbm>> -> memref<1x64x16xf32, #tpu.memory_space<hbm>>
        %dma_wait3A_29 = tpu.memref_squeeze %dma_wait3A_28 : memref<1x64x16xf32, #tpu.memory_space<hbm>> -> memref<64x16xf32, #tpu.memory_space<hbm>>
        %dma_wait3A_30 = arith.constant 0 : i32
        %dma_wait3A_31 = arith.constant 0 : i32
        %dma_wait3A_32 = tpu.memref_slice %arg5[%add3A_11, %dma_wait3A_30, %dma_wait3A_31] : memref<256x64x16xf32, #tpu.memory_space<hbm>> -> memref<1x64x16xf32, #tpu.memory_space<hbm>>
        %dma_wait3A_33 = tpu.memref_squeeze %dma_wait3A_32 : memref<1x64x16xf32, #tpu.memory_space<hbm>> -> memref<64x16xf32, #tpu.memory_space<hbm>>
        tpu.wait_dma2 semaphore(%run_scoped3A : memref<!tpu.dma_semaphore, #tpu.memory_space<semaphore_mem>>) src(%dma_wait3A_33 : memref<64x16xf32, #tpu.memory_space<hbm>>) dst(%arg9 : memref<64x16xf32, #tpu.memory_space<vmem>>)
        tpu.yield
      }) : () -> ()
      %scan3A_12 = arith.constant 0 : i32
      %scan3A_13 = arith.constant 0 : i32
      %scan3A_14 = arith.constant 4 : i32
      %scan3A_15 = arith.addi %scan3A_13, %scan3A_14 : i32
      %scan3A_16 = arith.constant 1 : i32
      %scan3A_17 = scf.for %scan3A_20 = %scan3A_13 to %scan3A_15 step %scan3A_16 iter_args(%scan3A_21 = %scan3A_12) -> (i32)  : i32 {
        %mul3A_22 = arith.constant 1024 : i32
        %mul3A_23 = arith.muli %scan3A_20, %mul3A_22 : i32
        "tpu.region"() ({
          %run_scoped3A = tpu.sem_alloc : memref<!tpu.dma_semaphore, #tpu.memory_space<semaphore_mem>>
          %dma_start3A = arith.constant 0 : i32
          %dma_start3A_32 = tpu.memref_slice %arg2[%add3A_11, %dma_start3A, %mul3A_23] : memref<256x64x4096xf32, #tpu.memory_space<hbm>> -> memref<1x64x1024xf32, #tpu.memory_space<hbm>>
          %dma_start3A_33 = tpu.memref_squeeze %dma_start3A_32 : memref<1x64x1024xf32, #tpu.memory_space<hbm>> -> memref<64x1024xf32, #tpu.memory_space<hbm>>
          %dma_start3A_34 = arith.constant 0 : i32
          %dma_start3A_35 = tpu.memref_slice %arg2[%add3A_11, %dma_start3A_34, %mul3A_23] : memref<256x64x4096xf32, #tpu.memory_space<hbm>> -> memref<1x64x1024xf32, #tpu.memory_space<hbm>>
          %dma_start3A_36 = tpu.memref_squeeze %dma_start3A_35 : memref<1x64x1024xf32, #tpu.memory_space<hbm>> -> memref<64x1024xf32, #tpu.memory_space<hbm>>
          tpu.enqueue_dma source(%dma_start3A_36 : memref<64x1024xf32, #tpu.memory_space<hbm>>) target(%arg10 : memref<64x1024xf32, #tpu.memory_space<vmem>>) target_semaphore(%run_scoped3A : memref<!tpu.dma_semaphore, #tpu.memory_space<semaphore_mem>>)
          %dma_wait3A = arith.constant 0 : i32
          %dma_wait3A_37 = tpu.memref_slice %arg2[%add3A_11, %dma_wait3A, %mul3A_23] : memref<256x64x4096xf32, #tpu.memory_space<hbm>> -> memref<1x64x1024xf32, #tpu.memory_space<hbm>>
          %dma_wait3A_38 = tpu.memref_squeeze %dma_wait3A_37 : memref<1x64x1024xf32, #tpu.memory_space<hbm>> -> memref<64x1024xf32, #tpu.memory_space<hbm>>
          %dma_wait3A_39 = arith.constant 0 : i32
          %dma_wait3A_40 = tpu.memref_slice %arg2[%add3A_11, %dma_wait3A_39, %mul3A_23] : memref<256x64x4096xf32, #tpu.memory_space<hbm>> -> memref<1x64x1024xf32, #tpu.memory_space<hbm>>
          %dma_wait3A_41 = tpu.memref_squeeze %dma_wait3A_40 : memref<1x64x1024xf32, #tpu.memory_space<hbm>> -> memref<64x1024xf32, #tpu.memory_space<hbm>>
          tpu.wait_dma2 semaphore(%run_scoped3A : memref<!tpu.dma_semaphore, #tpu.memory_space<semaphore_mem>>) src(%dma_wait3A_41 : memref<64x1024xf32, #tpu.memory_space<hbm>>) dst(%arg10 : memref<64x1024xf32, #tpu.memory_space<vmem>>)
          tpu.yield
        }) : () -> ()
        %scan3A_24 = arith.constant 0 : i32
        %scan3A_25 = arith.constant 0 : i32
        %scan3A_26 = arith.constant 16 : i32
        %scan3A_27 = arith.addi %scan3A_25, %scan3A_26 : i32
        %scan3A_28 = arith.constant 1 : i32
        %scan3A_29 = scf.for %scan3A_32 = %scan3A_25 to %scan3A_27 step %scan3A_28 iter_args(%scan3A_33 = %scan3A_24) -> (i32)  : i32 {
          %broadcast_in_dim3A = arith.constant 0 : i32
          %broadcast_in_dim3A_34 = vector.broadcast %broadcast_in_dim3A : i32 to vector<16xi32>
          %add3A_35 = vector.broadcast %scan3A_32 : i32 to vector<16xi32>
          %add3A_36 = arith.addi %broadcast_in_dim3A_34, %add3A_35 : vector<16xi32>
          %gather3A = tpu.vector_load_idx %arg7[%add3A_36] : memref<16xi32, #tpu.memory_space<vmem>>[vector<16xi32>], vector<16xi32>,
          %gather3A_37 = tpu.vector_load_idx %arg8[%add3A_36] : memref<16xi32, #tpu.memory_space<vmem>>[vector<16xi32>], vector<16xi32>,
          %sub3A = vector.broadcast %mul3A_23 : i32 to vector<16xi32>
          %sub3A_38 = arith.subi %gather3A, %sub3A : vector<16xi32>
          %ge3A = arith.constant 0 : i32
          %ge3A_39 = vector.broadcast %ge3A : i32 to vector<16xi32>
          %ge3A_40 = arith.cmpi sge, %sub3A_38, %ge3A_39 : vector<16xi32>
          %lt3A = arith.constant 1024 : i32
          %lt3A_41 = vector.broadcast %lt3A : i32 to vector<16xi32>
          %lt3A_42 = arith.cmpi slt, %sub3A_38, %lt3A_41 : vector<16xi32>
          %and3A = arith.andi %ge3A_40, %lt3A_42 : vector<16xi1>
          %ne3A = arith.constant 0 : i32
          %ne3A_43 = vector.broadcast %ne3A : i32 to vector<16xi32>
          %ne3A_44 = arith.cmpi ne, %gather3A_37, %ne3A_43 : vector<16xi32>
          %and3A_45 = arith.andi %and3A, %ne3A_44 : vector<16xi1>
          %jit3A = arith.constant 0 : i32
          %jit3A_46 = arith.constant 1023 : i32
          %max3A = vector.broadcast %jit3A : i32 to vector<16xi32>
          %max3A_47 = arith.maxsi %max3A, %sub3A_38 : vector<16xi32>
          %min3A = vector.broadcast %jit3A_46 : i32 to vector<16xi32>
          %min3A_48 = arith.minsi %min3A, %max3A_47 : vector<16xi32>
          %add3A_49 = arith.constant 0 : i32
          %add3A_50 = vector.broadcast %add3A_49 : i32 to vector<16xi32>
          %add3A_51 = arith.addi %add3A_50, %iota3A : vector<16xi32>
          %gather3A_52 = tpu.vector_load_idx %arg9[%add3A_51, %add3A_36] : memref<64x16xf32, #tpu.memory_space<vmem>>[vector<16xi32>, vector<16xi32>], vector<16xf32>,
          tpu.vector_store_idx %arg10[%add3A_51, %min3A_48], %gather3A_52 masked %and3A_45 : memref<64x1024xf32, #tpu.memory_space<vmem>>[vector<16xi32>, vector<16xi32>], vector<16xf32>, vector<16xi1>
          %add3A_53 = arith.constant 16 : i32
          %add3A_54 = vector.broadcast %add3A_53 : i32 to vector<16xi32>
          %add3A_55 = arith.addi %add3A_54, %iota3A : vector<16xi32>
          %gather3A_56 = tpu.vector_load_idx %arg9[%add3A_55, %add3A_36] : memref<64x16xf32, #tpu.memory_space<vmem>>[vector<16xi32>, vector<16xi32>], vector<16xf32>,
          tpu.vector_store_idx %arg10[%add3A_55, %min3A_48], %gather3A_56 masked %and3A_45 : memref<64x1024xf32, #tpu.memory_space<vmem>>[vector<16xi32>, vector<16xi32>], vector<16xf32>, vector<16xi1>
          %add3A_57 = arith.constant 32 : i32
          %add3A_58 = vector.broadcast %add3A_57 : i32 to vector<16xi32>
          %add3A_59 = arith.addi %add3A_58, %iota3A : vector<16xi32>
          %gather3A_60 = tpu.vector_load_idx %arg9[%add3A_59, %add3A_36] : memref<64x16xf32, #tpu.memory_space<vmem>>[vector<16xi32>, vector<16xi32>], vector<16xf32>,
          tpu.vector_store_idx %arg10[%add3A_59, %min3A_48], %gather3A_60 masked %and3A_45 : memref<64x1024xf32, #tpu.memory_space<vmem>>[vector<16xi32>, vector<16xi32>], vector<16xf32>, vector<16xi1>
          %add3A_61 = arith.constant 48 : i32
          %add3A_62 = vector.broadcast %add3A_61 : i32 to vector<16xi32>
          %add3A_63 = arith.addi %add3A_62, %iota3A : vector<16xi32>
          %gather3A_64 = tpu.vector_load_idx %arg9[%add3A_63, %add3A_36] : memref<64x16xf32, #tpu.memory_space<vmem>>[vector<16xi32>, vector<16xi32>], vector<16xf32>,
          tpu.vector_store_idx %arg10[%add3A_63, %min3A_48], %gather3A_64 masked %and3A_45 : memref<64x1024xf32, #tpu.memory_space<vmem>>[vector<16xi32>, vector<16xi32>], vector<16xf32>, vector<16xi1>
          %scan3A_65 = arith.constant 0 : i32
          scf.yield %scan3A_65 : i32
        }
        %scan3A_30 = arith.constant 16 : i32
        "tpu.region"() ({
          %run_scoped3A = tpu.sem_alloc : memref<!tpu.dma_semaphore, #tpu.memory_space<semaphore_mem>>
          %dma_start3A = arith.constant 0 : i32
          %dma_start3A_32 = tpu.memref_slice %arg6[%add3A_11, %dma_start3A, %mul3A_23] : memref<256x64x4096xf32, #tpu.memory_space<hbm>> -> memref<1x64x1024xf32, #tpu.memory_space<hbm>>
          %dma_start3A_33 = tpu.memref_squeeze %dma_start3A_32 : memref<1x64x1024xf32, #tpu.memory_space<hbm>> -> memref<64x1024xf32, #tpu.memory_space<hbm>>
          %dma_start3A_34 = arith.constant 0 : i32
          %dma_start3A_35 = tpu.memref_slice %arg6[%add3A_11, %dma_start3A_34, %mul3A_23] : memref<256x64x4096xf32, #tpu.memory_space<hbm>> -> memref<1x64x1024xf32, #tpu.memory_space<hbm>>
          %dma_start3A_36 = tpu.memref_squeeze %dma_start3A_35 : memref<1x64x1024xf32, #tpu.memory_space<hbm>> -> memref<64x1024xf32, #tpu.memory_space<hbm>>
          tpu.enqueue_dma source(%arg10 : memref<64x1024xf32, #tpu.memory_space<vmem>>) target(%dma_start3A_36 : memref<64x1024xf32, #tpu.memory_space<hbm>>) target_semaphore(%run_scoped3A : memref<!tpu.dma_semaphore, #tpu.memory_space<semaphore_mem>>)
          %dma_wait3A = arith.constant 0 : i32
          %dma_wait3A_37 = tpu.memref_slice %arg6[%add3A_11, %dma_wait3A, %mul3A_23] : memref<256x64x4096xf32, #tpu.memory_space<hbm>> -> memref<1x64x1024xf32, #tpu.memory_space<hbm>>
          %dma_wait3A_38 = tpu.memref_squeeze %dma_wait3A_37 : memref<1x64x1024xf32, #tpu.memory_space<hbm>> -> memref<64x1024xf32, #tpu.memory_space<hbm>>
          %dma_wait3A_39 = arith.constant 0 : i32
          %dma_wait3A_40 = tpu.memref_slice %arg6[%add3A_11, %dma_wait3A_39, %mul3A_23] : memref<256x64x4096xf32, #tpu.memory_space<hbm>> -> memref<1x64x1024xf32, #tpu.memory_space<hbm>>
          %dma_wait3A_41 = tpu.memref_squeeze %dma_wait3A_40 : memref<1x64x1024xf32, #tpu.memory_space<hbm>> -> memref<64x1024xf32, #tpu.memory_space<hbm>>
          tpu.wait_dma2 semaphore(%run_scoped3A : memref<!tpu.dma_semaphore, #tpu.memory_space<semaphore_mem>>) src(%arg10 : memref<64x1024xf32, #tpu.memory_space<vmem>>) dst(%dma_wait3A_41 : memref<64x1024xf32, #tpu.memory_space<hbm>>)
          tpu.yield
        }) : () -> ()
        %scan3A_31 = arith.constant 0 : i32
        scf.yield %scan3A_31 : i32
      }
      %scan3A_18 = arith.constant 4 : i32
      %scan3A_19 = arith.constant 0 : i32
      scf.yield %scan3A_19 : i32
    }
    %scan3A_8 = arith.constant 8 : i32
    return
  }
}

module attributes {stable_mosaic.version = 14 : i64} {
  func.func @_tc_body(%arg0: i32, %arg1: memref<2x64x4096xf32, #tpu.memory_space<vmem>>, %arg2: memref<2x64x16xf32, #tpu.memory_space<vmem>>, %arg3: memref<16x4096xf32, #tpu.memory_space<vmem>>, %arg4: memref<1x4096xf32, #tpu.memory_space<vmem>>, %arg5: memref<2x64x4096xf32, #tpu.memory_space<vmem>>) attributes {dimension_semantics = [#tpu.dimension_semantics<parallel>], iteration_bounds = array<i64: 128>, scalar_prefetch = 0 : i64, scratch_operands = 0 : i64, tpu.core_type = #tpu.core_type<tc>, window_params = [{transform_indices = @transform_0, window_bounds = array<i64: 2, 64, 4096>}, {transform_indices = @transform_1, window_bounds = array<i64: 2, 64, 16>}, {pipeline_mode = #tpu.pipeline_mode<synchronous>, transform_indices = @transform_2, window_bounds = array<i64: 16, 4096>}, {pipeline_mode = #tpu.pipeline_mode<synchronous>, transform_indices = @transform_3, window_bounds = array<i64: 1, 4096>}, {transform_indices = @transform_4, window_bounds = array<i64: 2, 64, 4096>}]} {
    %get3A = arith.constant 0 : index
    %get3A_0 = arith.constant 0 : index
    %get3A_1 = vector.load %arg4[%get3A, %get3A_0] : memref<1x4096xf32, #tpu.memory_space<vmem>>, vector<1x4096xf32>
    %gt3A = arith.constant 0.000000e+00 : f32
    %gt3A_2 = vector.broadcast %gt3A : f32 to vector<1x4096xf32>
    %gt3A_3 = arith.cmpf ogt, %get3A_1, %gt3A_2 : vector<1x4096xf32>
    %get3A_4 = arith.constant 0 : index
    %get3A_5 = arith.constant 0 : index
    %get3A_6 = arith.constant 0 : index
    %get3A_7 = vector.load %arg2[%get3A_4, %get3A_5, %get3A_6] : memref<2x64x16xf32, #tpu.memory_space<vmem>>, vector<1x64x16xf32>
    %get3A_8 = vector.shape_cast %get3A_7 : vector<1x64x16xf32> to vector<64x16xf32>
    %get3A_9 = arith.constant 0 : index
    %get3A_10 = arith.constant 0 : index
    %get3A_11 = vector.load %arg3[%get3A_9, %get3A_10] : memref<16x4096xf32, #tpu.memory_space<vmem>>, vector<16x4096xf32>
    %dot_general3A = arith.constant dense<0.000000e+00> : vector<64x4096xf32>
    %dot_general3A_12 = tpu.matmul %get3A_8, %get3A_11, %dot_general3A {dimension_numbers = #tpu.dot_dimension_numbers<[1], [0], [0], [1], [0, 0, 1, 1], [], []>, precision = #tpu.contract_precision<fp32>, transpose_lhs_hint = false} : vector<64x16xf32>, vector<16x4096xf32>, vector<64x4096xf32> -> vector<64x4096xf32>
    %get3A_13 = arith.constant 0 : index
    %get3A_14 = arith.constant 0 : index
    %get3A_15 = arith.constant 0 : index
    %get3A_16 = vector.load %arg1[%get3A_13, %get3A_14, %get3A_15] : memref<2x64x4096xf32, #tpu.memory_space<vmem>>, vector<1x64x4096xf32>
    %get3A_17 = vector.shape_cast %get3A_16 : vector<1x64x4096xf32> to vector<64x4096xf32>
    %broadcast_in_dim3A = vector.shape_cast %gt3A_3 : vector<1x4096xi1> to vector<1x4096xi1>
    %broadcast_in_dim3A_18 = vector.broadcast %broadcast_in_dim3A : vector<1x4096xi1> to vector<64x4096xi1>
    %select_n3A = arith.select %broadcast_in_dim3A_18, %dot_general3A_12, %get3A_17 : vector<64x4096xi1>, vector<64x4096xf32>
    %swap3A = arith.constant 0 : index
    %swap3A_19 = arith.constant 0 : index
    %swap3A_20 = arith.constant 0 : index
    %swap3A_21 = vector.load %arg5[%swap3A, %swap3A_19, %swap3A_20] : memref<2x64x4096xf32, #tpu.memory_space<vmem>>, vector<1x64x4096xf32>
    %swap3A_22 = vector.shape_cast %swap3A_21 : vector<1x64x4096xf32> to vector<64x4096xf32>
    %swap3A_23 = vector.shape_cast %select_n3A : vector<64x4096xf32> to vector<1x64x4096xf32>
    tpu.vector_store %arg5[%swap3A, %swap3A_19, %swap3A_20], %swap3A_23 {strides = array<i32>} : memref<2x64x4096xf32, #tpu.memory_space<vmem>>, vector<1x64x4096xf32>,
    %get3A_24 = arith.constant 1 : index
    %get3A_25 = arith.constant 0 : index
    %get3A_26 = arith.constant 0 : index
    %get3A_27 = vector.load %arg2[%get3A_24, %get3A_25, %get3A_26] : memref<2x64x16xf32, #tpu.memory_space<vmem>>, vector<1x64x16xf32>
    %get3A_28 = vector.shape_cast %get3A_27 : vector<1x64x16xf32> to vector<64x16xf32>
    %get3A_29 = arith.constant 0 : index
    %get3A_30 = arith.constant 0 : index
    %get3A_31 = vector.load %arg3[%get3A_29, %get3A_30] : memref<16x4096xf32, #tpu.memory_space<vmem>>, vector<16x4096xf32>
    %dot_general3A_32 = arith.constant dense<0.000000e+00> : vector<64x4096xf32>
    %dot_general3A_33 = tpu.matmul %get3A_28, %get3A_31, %dot_general3A_32 {dimension_numbers = #tpu.dot_dimension_numbers<[1], [0], [0], [1], [0, 0, 1, 1], [], []>, precision = #tpu.contract_precision<fp32>, transpose_lhs_hint = false} : vector<64x16xf32>, vector<16x4096xf32>, vector<64x4096xf32> -> vector<64x4096xf32>
    %get3A_34 = arith.constant 1 : index
    %get3A_35 = arith.constant 0 : index
    %get3A_36 = arith.constant 0 : index
    %get3A_37 = vector.load %arg1[%get3A_34, %get3A_35, %get3A_36] : memref<2x64x4096xf32, #tpu.memory_space<vmem>>, vector<1x64x4096xf32>
    %get3A_38 = vector.shape_cast %get3A_37 : vector<1x64x4096xf32> to vector<64x4096xf32>
    %broadcast_in_dim3A_39 = vector.shape_cast %gt3A_3 : vector<1x4096xi1> to vector<1x4096xi1>
    %broadcast_in_dim3A_40 = vector.broadcast %broadcast_in_dim3A_39 : vector<1x4096xi1> to vector<64x4096xi1>
    %select_n3A_41 = arith.select %broadcast_in_dim3A_40, %dot_general3A_33, %get3A_38 : vector<64x4096xi1>, vector<64x4096xf32>
    %swap3A_42 = arith.constant 1 : index
    %swap3A_43 = arith.constant 0 : index
    %swap3A_44 = arith.constant 0 : index
    %swap3A_45 = vector.load %arg5[%swap3A_42, %swap3A_43, %swap3A_44] : memref<2x64x4096xf32, #tpu.memory_space<vmem>>, vector<1x64x4096xf32>
    %swap3A_46 = vector.shape_cast %swap3A_45 : vector<1x64x4096xf32> to vector<64x4096xf32>
    %swap3A_47 = vector.shape_cast %select_n3A_41 : vector<64x4096xf32> to vector<1x64x4096xf32>
    tpu.vector_store %arg5[%swap3A_42, %swap3A_43, %swap3A_44], %swap3A_47 {strides = array<i32>} : memref<2x64x4096xf32, #tpu.memory_space<vmem>>, vector<1x64x4096xf32>,
    return
  }
  func.func @transform_0(%arg0: i32) -> (i32, i32, i32) {
    %c0_i32 = arith.constant 0 : i32
    %c0_i32_0 = arith.constant 0 : i32
    %c0_i32_1 = arith.constant 0 : i32
    return %arg0, %c0_i32, %c0_i32_0 : i32, i32, i32
  }
  func.func @transform_1(%arg0: i32) -> (i32, i32, i32) {
    %c0_i32 = arith.constant 0 : i32
    %c0_i32_0 = arith.constant 0 : i32
    %c0_i32_1 = arith.constant 0 : i32
    return %arg0, %c0_i32, %c0_i32_0 : i32, i32, i32
  }
  func.func @transform_2(%arg0: i32) -> (i32, i32) {
    %c0_i32 = arith.constant 0 : i32
    %c0_i32_0 = arith.constant 0 : i32
    %c0_i32_1 = arith.constant 0 : i32
    return %c0_i32, %c0_i32_0 : i32, i32
  }
  func.func @transform_3(%arg0: i32) -> (i32, i32) {
    %c0_i32 = arith.constant 0 : i32
    %c0_i32_0 = arith.constant 0 : i32
    %c0_i32_1 = arith.constant 0 : i32
    return %c0_i32, %c0_i32_0 : i32, i32
  }
  func.func @transform_4(%arg0: i32) -> (i32, i32, i32) {
    %c0_i32 = arith.constant 0 : i32
    %c0_i32_0 = arith.constant 0 : i32
    %c0_i32_1 = arith.constant 0 : i32
    return %arg0, %c0_i32, %c0_i32_0 : i32, i32, i32
  }
}

</mosaic_0001>

<sc_bundles>
// kernel: kernel.4.cloned.1.call-start
scs
__scs_entry_jumppad:
0x0: {  	(pc) =	sbr.rel $0x88, $3  }
0x1: {  	(tag) =	ssettag $0x0;
	lr =	simm.s32 $0x1  }
0x2: {  	[smem:$0x3F9C] =	sst lr;
	_ =	strace $0xD0000000  }
0x3: {  	_ = 	snop  }
0x4: {  	_ = 	snop  }
0x5: {  	_ = 	snop  }
0x6: {  	_ = 	snop  }
0x7: {  	_ = 	snop  }
__scs_overlays_trampoline_lowered:
0x8: {  	[smem:$0x3FAB] =	sst s0  }
0x9: {  	[smem:$0x3FAC] =	sst s1  }
0xa: {  	[smem:$0x3FAD] =	sst s2  }
0xb: {  	[smem:$0x3FAE] =	sst s3  }
0xc: {  	[smem:$0x3FAF] =	sst s4  }
0xd: {  	[smem:$0x3FB0] =	sst s5  }
0xe: {  	[smem:$0x3FB1] =	sst s6  }
0xf: {  	[smem:$0x3FB2] =	sst s7  }
0x10: {  	[smem:$0x3FB3] =	sst s8  }
0x11: {  	[smem:$0x3FB4] =	sst s9;
	s0 =	simm.s32 @!p0 $0x0  }
0x12: {  	s1 =	sld [smem:$0x3F9A];
	s0 =	simm.s32 @p0 $0x1  }
0x13: {  	[smem:$0x3FB5] =	sst s0;
	s0 =	simm.s32 @!p1 $0x0  }
0x14: {  	s2 =	sld [smem:$0x3F99];
	s0 =	simm.s32 @p1 $0x1  }
0x15: {  	[smem:$0x3FB6] =	sst s0;
	s0 =	simm.s32 @!p2 $0x0  }
0x16: {  	s3 =	sld [smem:$0x3FDB];
	s0 =	simm.s32 @p2 $0x1  }
0x17: {  	s4 =	simm.s32 $0x1BF5;
	[smem:$0x3FB8] =	sst s0  }
0x18: {  	s0 =	sld [smem:$0x3F9B];
	_ =	swait.ge [sflag:s4], $0x0  }
0x19: {  	s7 =	sld [smem:$0x3F9C]  }
0x1a: {  	s8 =	sadd.s32 $0xFFFFE003, lr  }
0x1b: {  	s9 =	sadd.s32 $0xFFFFFEF7, lr;
	s5 =	simm.s32 $0xFFFFFFFF;
	p2 =	slt.u32 s8, $0xFFFFF086  }
0x1c: {  	p1 =	slt.u32 s9, $0xF7A;
	s5 =	simm.s32 @!p2 $0x0  }
0x1d: {  	s5 =	simm.s32 @p1 $0x1;
	p0 =	seq.s32 s7, s2  }
0x1e: {  	s7 =	smul.u32 @!p0 $0xF7A, s2;
	p2 =	seq.s32 @!p0 s5, $0x0  }
0x1f: {  	s9 =	smul.u32 $0xF7A, s1;
	s8 =	simm.s32 @!p0 $0x1BF5;
	p2 =	por !p2, p0  }
0x20: {  	[sflag:s8] =	ssyncset.s32 @!p0 $0xFFFFF086;
	s6 =	sadd.s32 @!p0 s3, s7;
	s7 =	simm.s32 @!p0 $0x108  }
0x21: {  	s3 =	sadd.s32 s3, s9;
	s6 =	sadd.s32 @!p0 $0x88, s6;
	s7 =	simm.s32 @p2 $0x1082  }
0x22: {  	[simem:s7], [sflag:s8] =	dma.local @!p0 [hbm:s6], $0xF7A  }
0x23: {  	s9 =	sor.u32 $0xD0000000, s2;
	s6 =	simm.s32 $0x108;
	_ =	swait.ge @!p0 [sflag:s8], $0x0  }
0x24: {  	s3 =	sadd.s32 $0x88, s3;
	s6 =	simm.s32 @!p1 $0x1082;
	[sflag:s4] =	ssyncset.s32 $0xFFFFF086  }
0x25: {  	[simem:s6], [sflag:s4] =	dma.local [hbm:s3], $0xF7A  }
0x26: {  	[smem:$0x3F9C] =	sst s1;
	(tag) =	ssettag s2;
	_ =	strace s9  }
0x27: {  	s1 =	sld [smem:$0x3FAC]  }
0x28: {  	s2 =	sld [smem:$0x3FAD]  }
0x29: {  	s4 =	sld [smem:$0x3FAF]  }
0x2a: {  	p0 =	seq.s32 s5, $0x0;
	s5 =	sld [smem:$0x3FB0]  }
0x2b: {  	s6 =	sld [smem:$0x3FB1]  }
0x2c: {  	s7 =	sld [smem:$0x3FB2]  }
0x2d: {  	s3 =	simm.s32 $0x108;
	s8 =	sld [smem:$0x3FB3]  }
0x2e: {  	s3 =	simm.s32 @!p0 $0x1082;
	s9 =	sld [smem:$0x3FB4]  }
0x2f: {  	lr =	sadd.s32 s0, s3;
	s0 =	sld [smem:$0x3FAB]  }
0x30: {  	s3 =	sld [smem:$0x3FAE]  }
0x31: {  	[smem:$0x3FB7] =	sst s10  }
0x32: {  	s10 =	sld [smem:$0x3FB5];
	_ =	sdelay $0x3  }
0x33: {  	p0 =	seq.s32 s10, $0x1;
	s10 =	sld [smem:$0x3FB7];
	_ =	sdelay $0x3  }
0x34: {  	[smem:$0x3FB7] =	sst s10  }
0x35: {  	s10 =	sld [smem:$0x3FB6];
	_ =	sdelay $0x3  }
0x36: {  	p1 =	seq.s32 s10, $0x1;
	s10 =	sld [smem:$0x3FB7];
	_ =	sdelay $0x3  }
0x37: {  	[smem:$0x3FB7] =	sst s10  }
0x38: {  	s10 =	sld [smem:$0x3FB8]  }
0x39: {  	_ = 	snop;
	(pc) =	sbr.ind lr, $3  }
0x3a: {  	_ = 	snop  }
0x3b: {  	_ = 	snop  }
0x3c: {  	p2 =	seq.s32 s10, $0x1;
	s10 =	sld [smem:$0x3FB7]  }
0x3d: {  	_ =	shalt  }
0x3e: {  	_ =	shalt  }
0x3f: {  	_ =	shalt  }
0x40: {  	_ =	shalt  }
0x41: {  	_ =	shalt  }
0x42: {  	_ =	shalt  }
0x43: {  	_ =	shalt  }
0x44: {  	_ =	shalt  }
0x45: {  	_ =	shalt  }
0x46: {  	_ =	shalt  }
0x47: {  	_ =	shalt  }
0x48: {  	_ =	shalt  }
0x49: {  	_ =	shalt  }
0x4a: {  	_ =	shalt  }
0x4b: {  	_ =	shalt  }
0x4c: {  	_ =	shalt  }
0x4d: {  	_ =	shalt  }
0x4e: {  	_ =	shalt  }
0x4f: {  	_ =	shalt  }
0x50: {  	_ =	shalt  }
0x51: {  	_ =	shalt  }
0x52: {  	_ =	shalt  }
0x53: {  	_ =	shalt  }
0x54: {  	_ =	shalt  }
0x55: {  	_ =	shalt  }
0x56: {  	_ =	shalt  }
0x57: {  	_ =	shalt  }
0x58: {  	_ =	shalt  }
0x59: {  	_ =	shalt  }
0x5a: {  	_ =	shalt  }
0x5b: {  	_ =	shalt  }
0x5c: {  	_ =	shalt  }
0x5d: {  	_ =	shalt  }
0x5e: {  	_ =	shalt  }
0x5f: {  	_ =	shalt  }
0x60: {  	_ =	shalt  }
0x61: {  	_ =	shalt  }
0x62: {  	_ =	shalt  }
0x63: {  	_ =	shalt  }
0x64: {  	_ =	shalt  }
0x65: {  	_ =	shalt  }
0x66: {  	_ =	shalt  }
0x67: {  	_ =	shalt  }
0x68: {  	_ =	shalt  }
0x69: {  	_ =	shalt  }
0x6a: {  	_ =	shalt  }
0x6b: {  	_ =	shalt  }
0x6c: {  	_ =	shalt  }
0x6d: {  	_ =	shalt  }
0x6e: {  	_ =	shalt  }
0x6f: {  	_ =	shalt  }
0x70: {  	_ =	shalt  }
0x71: {  	_ =	shalt  }
0x72: {  	_ =	shalt  }
0x73: {  	_ =	shalt  }
0x74: {  	_ =	shalt  }
0x75: {  	_ =	shalt  }
0x76: {  	_ =	shalt  }
0x77: {  	_ =	shalt  }
0x78: {  	_ =	shalt  }
0x79: {  	_ =	shalt  }
0x7a: {  	_ =	shalt  }
0x7b: {  	_ =	shalt  }
0x7c: {  	_ =	shalt  }
0x7d: {  	_ =	shalt  }
0x7e: {  	_ =	shalt  }
0x7f: {  	_ =	shalt  }
0x80: {  	_ =	shalt  }
0x81: {  	_ =	shalt  }
0x82: {  	_ =	shalt  }
0x83: {  	_ =	shalt  }
0x84: {  	_ =	shalt  }
0x85: {  	_ =	shalt  }
0x86: {  	_ =	shalt  }
0x87: {  	_ =	shalt  }
.Lfunc_end0:
.L_simem_size_0:
called_computation_lowered:
.L_overlay_start_0:
0x88: {  	s2 =	sld [smem:$0x3FD9]  }
0x89: {  	s3 =	sld [smem:$0x3FFE];
	_ =	sdelay $0x1  }
0x8a: {  	s1 =	srdreg.scid  }
0x8b: {  	s0 =	sand.u32 $0x1, s1  }
0x8c: {  	s14 =	sshll.u32 s0, $0xA;
	s2 =	sadd.s32 s3, s2  }
0x8d: {  	s2 =	sadd.s32 s2, s14  }
0x8e: {  	[smem:$0x3FC3] =	sst s2  }
0x8f: {  	_ = 	snop  }
0x90: {  	s2 =	sld [smem:$0x3FD0];
	_ =	sdelay $0x1  }
0x91: {  	s15 =	sld [smem:$0x3FC8]  }
0x92: {  	s5 =	simm.s32 $0xA;
	s6 =	simm.s32 $0x10;
	s4 =	sld [smem:$0x3FC7]  }
0x93: {  	[smem:s6], [sflag:s5] =	dma.local [hbm:s2], $0x1  }
0x94: {  	_ =	swait.eq [sflag:s5], $0x1  }
0x95: {  	[sflag:s5] =	ssyncset.done $0x0  }
0x96: {  	[sflag:s5] =	ssyncadd.s32 $0xFFFFFFFF  }
0x97: {  	s16 =	sld [smem:$0x11];
	(tm) =	ssettm $0x1  }
0x98: {  	s17 =	sld [smem:$0x3FFB];
	_ =	sdelay $0x3  }
0x99: {  	_ =	strace s17  }
0x9a: {  	s5 =	sld [smem:$0x3FFC];
	_ =	sdelay $0x3  }
0x9b: {  	_ =	strace s5  }
0x9c: {  	s5 =	sld [smem:$0x3FFD];
	_ =	sdelay $0x3  }
0x9d: {  	_ =	strace s5  }
0x9e: {  	_ =	strace $0x8FFFFFFF  }
0x9f: {  	s18 =	sld [smem:$0x3FDB];
	_ =	sdelay $0x1  }
0xa0: {  	s19 =	simm.s32 $_scs_section_size  }
0xa1: {  	s7 =	simm.s32 $_size__tile_overlayer_lowered;
	s8 =	simm.s32 $_tile_overlayer_lowered  }
0xa2: {  	s22 =	simm.s32 $0x1BFF;
	s21 =	sshll.u32 s8, $0x1;
	s5 =	sadd.s32 s19, s18  }
0xa3: {  	s9 =	simm.s32 $0x0;
	s20 =	sshll.u32 s7, $0x1;
	s7 =	sadd.s32 s21, s5  }
0xa4: {  	[timem:s9], [sflag:s22] =	dma.local [hbm:s7], s20  }
0xa5: {  	_ =	swait.ge [sflag:s22], s20  }
0xa6: {  	s6 =	ssub.s32 $0x0, s20;
	[sflag:s22] =	ssyncset.done $0x0  }
0xa7: {  	[sflag:s22] =	ssyncadd.s32 s6;
	_ =	sdelay $0x1  }
0xa8: {  	s23 =	simm.s32 $0x1B8B  }
0xa9: {  	_ =	swait.ge [sflag:s23], $0x1  }
0xaa: {  	[sflag:s23] =	ssyncset.done $0x0  }
0xab: {  	s25 =	simm.s32 $0x1B8E;
	s24 =	sld [smem:$0x3FFE];
	[sflag:s23] =	ssyncadd.s32 $0xFFFFFFFF  }
0xac: {  	s26 =	simm.s32 $execute0_lowered;
	[smem:$0x3FD2] =	sst s25  }
0xad: {  	s7 =	sshll.u32 s26, $0x1;
	_ =	strace $0x80000046;
	[dreg:$0x1] =	wrdreg $0xFFFFFFFF  }
0xae: {  	s28 =	simm.s32 $_size_execute0_lowered;
	s5 =	sadd.s32 s5, s7;
	[dreg:$0x0] =	wrdreg $0x0  }
0xaf: {  	s7 =	sshll.u32 s28, $0x1;
	[dreg:$0x2] =	wrdreg s5  }
0xb0: {  	[dreg:$0x3] =	wrdreg s7  }
0xb1: {  	[dreg:$0x4] =	wrdreg $0xC0  }
0xb2: {  	_ =	task [dreg:s9], $0x5FFFF  }
0xb3: {  	[dreg:$0x1] =	wrdreg $0xFFFFFFFF  }
0xb4: {  	[dreg:$0x0] =	wrdreg $0x60  }
0xb5: {  	[dreg:$0x2] =	wrdreg s15  }
0xb6: {  	[dreg:$0x3] =	wrdreg s4  }
0xb7: {  	[dreg:$0x4] =	wrdreg s24  }
0xb8: {  	[dreg:$0x5] =	wrdreg s16  }
0xb9: {  	[dreg:$0x6] =	wrdreg $0x9  }
0xba: {  	_ =	task.clear_ibuf [dreg:s9], $0x7FFFF;
	_ =	strace $0x90000046  }
0xbb: {  	s29 =	simm.s32 $0x9;
	_ =	strace $0x80000048  }
0xbc: {  	_ =	swait.ge [sflag:s29], $0x1  }
0xbd: {  	[sflag:s29] =	ssyncadd.s32 $0xFFFFFFFF  }
0xbe: {  	_ =	strace $0x90000048  }
0xbf: {  	_ =	sfence  }
0xc0: {  	s30 =	sld [smem:$0x0];
	_ =	sdelay $0x2  }
0xc1: {  	s31 =	sshll.u32 s1, $0xD;
	s1 =	sshrl.u32 s1, $0x2  }
0xc2: {  	s3 =	sand.u32 $0x4000, s31;
	s1 =	sadd.s32 s1, s30  }
0xc3: {  	s0 =	sor.u32 s3, s0;
	s1 =	sshll.u32 s1, $0x11  }
0xc4: {  	s0 =	sor.u32 s1, s0  }
0xc5: {  	s0 =	sadd.s32 $0x8F2B, s0  }
0xc6: {  	[sflag:s0] =	ssyncadd.remote.s32 $0x1  }
0xc7: {  	_ =	sfence.sel $0xFFFF  }
0xc8: {  	[dreg:$0x0] =	wrdreg $0xFFFFFFFF;
	(pc) =	sbr.abs _section_cstart, $3  }
0xc9: {  	[dreg:$0x1] =	wrdreg $0xFFFFFFFF  }
0xca: {  	_ =	task.clear_ibuf [dreg:s9], $0x2FFFF;
	_ =	strace $0x9FFFFFFF  }
0xcb: {  	(tm) =	ssettm $0x7FFFFFFF  }
tec
execute0_lowered:
.L_overlay_start_1:
0x0: {  	(tag) =	ssettag $0x1  }
0x1: {  	v0 =	vimm.s32 $0x2380;
	vm14 =	vcmask $0x300;
	vm13 =	vcmask $0x704  }
0x2: {  	vm12 =	vcmask $0xB08;
	vm11 =	vcmask $0xF0C;
	vm10 =	vcmask $0x1310  }
0x3: {  	vm9 =	vcmask $0x1714;
	vm8 =	vcmask $0x1B18;
	vm7 =	vcmask $0x1F1C  }
0x4: {  	vm6 =	vcmask $0x2320;
	vm5 =	vcmask $0x2724;
	vm4 =	vcmask $0x2B28  }
0x5: {  	vm3 =	vcmask $0x2F2C;
	v1 =	vlaneseq.u32;
	vm2 =	vcmask $0x3330  }
0x6: {  	vm1 =	vcmask $0x3734;
	vm0 =	vcmask $0x3B38;
	v3 =	vimm.s32 $0x6380  }
0x7: {  	v4 =	vimm.s32 $0xA380;
	v5 =	vimm.s32 $0xE380;
	v0 =	vsel vm14, $0x0, v0  }
0x8: {  	v3 =	vsel vm14, $0x4000, v3;
	v4 =	vsel vm14, $0x8000, v4;
	v5 =	vsel vm14, $0xC000, v5  }
0x9: {  	v0 =	vsel vm13, $0x80, v0;
	v3 =	vsel vm13, $0x4080, v3;
	v4 =	vsel vm13, $0x8080, v4  }
0xa: {  	v5 =	vsel vm13, $0xC080, v5;
	v0 =	vsel vm12, $0x100, v0;
	v3 =	vsel vm12, $0x4100, v3  }
0xb: {  	v4 =	vsel vm12, $0x8100, v4;
	v5 =	vsel vm12, $0xC100, v5;
	v0 =	vsel vm11, $0x180, v0  }
0xc: {  	v3 =	vsel vm11, $0x4180, v3;
	v4 =	vsel vm11, $0x8180, v4;
	v5 =	vsel vm11, $0xC180, v5  }
0xd: {  	v0 =	vsel vm10, $0x200, v0;
	v3 =	vsel vm10, $0x4200, v3;
	v4 =	vsel vm10, $0x8200, v4  }
0xe: {  	v5 =	vsel vm10, $0xC200, v5;
	v0 =	vsel vm9, $0x280, v0;
	v3 =	vsel vm9, $0x4280, v3  }
0xf: {  	v4 =	vsel vm9, $0x8280, v4;
	v5 =	vsel vm9, $0xC280, v5;
	v0 =	vsel vm8, $0x300, v0  }
0x10: {  	v3 =	vsel vm8, $0x4300, v3;
	v4 =	vsel vm8, $0x8300, v4;
	v5 =	vsel vm8, $0xC300, v5  }
0x11: {  	s0 =	rddreg [dreg:$0x0];
	v0 =	vsel vm7, $0x380, v0;
	v3 =	vsel vm7, $0x4380, v3;
	v4 =	vsel vm7, $0x8380, v4  }
0x12: {  	s1 =	rddreg [dreg:$0x1];
	v5 =	vsel vm7, $0xC380, v5;
	v0 =	vsel vm6, $0x2000, v0;
	v3 =	vsel vm6, $0x6000, v3  }
0x13: {  	s6 =	rddreg [dreg:$0x2];
	v4 =	vsel vm6, $0xA000, v4;
	v5 =	vsel vm6, $0xE000, v5;
	v0 =	vsel vm5, $0x2080, v0  }
0x14: {  	s3 =	rddreg [dreg:$0x3];
	v3 =	vsel vm5, $0x6080, v3;
	v4 =	vsel vm5, $0xA080, v4;
	v5 =	vsel vm5, $0xE080, v5  }
0x15: {  	s2 =	rddreg [dreg:$0x4];
	s4 =	simm.s32 $0x0;
	v0 =	vsel vm4, $0x2100, v0;
	v3 =	vsel vm4, $0x6100, v3;
	v4 =	vsel vm4, $0xA100, v4  }
0x16: {  	s5 =	srdreg.scid;
	s11 =	simm.s32 $0x80;
	s12 =	simm.s32 $0x100;
	v5 =	vsel vm4, $0xE100, v5;
	v2 =	vsel vm3, $0x2180, v0;
	v0 =	vmul.u32 $0x80, v1  }
0x17: {  	s13 =	simm.s32 $0x2000;
	s14 =	simm.s32 $0x8000;
	s15 =	simm.s32 $0x2100;
	v3 =	vsel vm3, $0x6180, v3;
	v4 =	vsel vm3, $0xA180, v4;
	v5 =	vsel vm3, $0xE180, v5  }
0x18: {  	s16 =	simm.s32 $0x0;
	[smem:$0x7FF] =	sst s4;
	s8 =	sand.u32 $0x1, s5;
	v1 =	vsel vm2, $0x2200, v2;
	v3 =	vsel vm2, $0x6200, v3;
	v6 =	vsel vm2, $0xA200, v4  }
0x19: {  	s5 =	sadd.s32 $0x40800, s6;
	s7 =	sadd.s32 $0x800, s6;
	s9 =	ssub.s32 $0x2, s8;
	v5 =	vsel vm2, $0xE200, v5;
	v1 =	vsel vm1, $0x2280, v1;
	v2 =	vor.u32 $0x800, v0  }
0x1a: {  	s6 =	stileid.u32;
	_ =	strace $0x80000047;
	s10 =	sshrl.u32 s9, $0x1;
	v3 =	vsel vm1, $0x6280, v3;
	v4 =	vor.u32 $0x1000, v0;
	v6 =	vsel vm1, $0xA280, v6  }
0x1b: {  	s31 =	sshll.u32 s6, $0x4;
	s8 =	sshll.u32 s8, $0x3;
	s9 =	ssub.s32 s9, s10;
	v7 =	vsel vm1, $0xE280, v5;
	v1 =	vsel vm0, $0x2300, v1;
	v3 =	vsel vm0, $0x6300, v3  }
0x1c: {  	s8 =	sor.u32 s8, s31;
	s10 =	simm.s32 $0x1;
	s9 =	smax.u32 s9, $0x1;
	v5 =	vsel vm0, $0xA300, v6;
	v6 =	vor.u32 $0x1800, v0;
	v7 =	vsel vm0, $0xE300, v7  }
.LBB2_1:
0x1d: {  	[tilespmem:s4], [sflag:$0x1] =	stream.linear.gather [hbm4b:s1+s4], $0x80, $0x38;
	[tilespmem:$0x12100] =	vst v63  }
0x1e: {  	_ =	swait.ge [sflag:s10], $0x80  }
0x1f: {  	[sflag:s10] =	ssyncset.done $0x0  }
0x20: {  	[sflag:s10] =	ssyncadd.s32 $0xFFFFFF80  }
0x21: {  	[tilespmem:s11], [sflag:$0x1] =	stream.linear.gather [hbm4b:s5+s4], $0x80, $0x38;
	[tilespmem:$0x12100] =	vst v63  }
0x22: {  	_ =	swait.ge [sflag:s10], $0x80  }
0x23: {  	[sflag:s10] =	ssyncset.done $0x0  }
0x24: {  	s17 =	simm.s32 $0x0;
	[sflag:s10] =	ssyncadd.s32 $0xFFFFFF80  }
.LBB2_2:
0x25: {  	s19 =	sadd.s32 s8, s17  }
0x26: {  	s18 =	sshll.u32 s19, $0xA  }
0x27: {  	s20 =	sadd.s32 s7, s18;
	s18 =	simm.s32 $0x0  }
0x28: {  	[tilespmem:s12], [sflag:$0x1] =	stream.linear.gather [hbm4b:s20+s18], $0x2000, $0x38;
	[tilespmem:$0x12100] =	vst v63  }
0x29: {  	_ =	swait.ge [sflag:s10], $0x2000  }
0x2a: {  	[sflag:s10] =	ssyncset.done $0x0  }
0x2b: {  	s19 =	sshll.u32 s19, $0xF;
	s20 =	simm.s32 $0x0;
	[sflag:s10] =	ssyncadd.s32 $0xFFFFE000  }
.LBB2_3:
0x2c: {  	s22 =	sshll.u32 s20, $0xA  }
0x2d: {  	s21 =	sadd.s32 s19, s22  }
0x2e: {  	v9 =	vmov s18;
	s23 =	sadd.s32 s0, s21  }
0x2f: {  	[tilespmem:s15], [sflag:$0x1] =	stream.strided.gather [hbm4b:s23+s13], $0x10000, s14, s13, $0x38;
	[tilespmem:$0x12100] =	vst v63  }
0x30: {  	_ =	swait.ge [sflag:s10], $0x10000  }
0x31: {  	[sflag:s10] =	ssyncset.done $0x0  }
0x32: {  	[sflag:s10] =	ssyncadd.s32 $0xFFFF0000  }
0x33: {  	v10 =	vld.idx.msk [tilespmem:v9+s4+$0x0], $0xffff;
	_ =	sdelay $0x3  }
0x34: {  	v8 =	vmov s22  }
0x35: {  	v9 =	vld.idx.msk [tilespmem:v9+s11+$0x0], $0xffff;
	v10 =	vsub.s32 v10, v8  }
0x36: {  	vm0 =	vgt.s32 v10, $0x0  }
0x37: {  	v11 =	vor.u32 s18, v0;
	v12 =	vnsel vm0, $0x0, v10  }
0x38: {  	v12 =	vmin.u32 v12, $0x3FF  }
0x39: {  	vm0 =	vlt.u32 v10, $0x400;
	v10 =	vshll.u32 v12, $0x3  }
0x3a: {  	vm1 =	vne.s32 v9, $0x0;
	v9 =	vand.u32 $0x7F, v12;
	v10 =	vand.u32 $0x1C00, v10  }
0x3b: {  	vm0 =	vmand vm0, vm1;
	v10 =	vor.u32 v9, v10  }
0x3c: {  	v9 =	vld.idx.msk [tilespmem:v11+s12+$0x0], $0xffff;
	v11 =	vor.u32 v1, v10  }
0x3d: {  	v61 =	vor.u32 s18, v2;
	_ =	sdelay $0x3  }
0x3e: {  	[tilespmem:v11+s15+$0x0] =	vst.idx.msk vm0, v9  }
0x3f: {  	v11 =	vor.u32 v3, v10;
	v9 =	vld.idx.msk [tilespmem:v61+s12+$0x0], $0xffff  }
0x40: {  	v62 =	vor.u32 s18, v4;
	_ =	sdelay $0x3  }
0x41: {  	[tilespmem:v11+s15+$0x0] =	vst.idx.msk vm0, v9  }
0x42: {  	v11 =	vor.u32 v5, v10;
	v9 =	vld.idx.msk [tilespmem:v62+s12+$0x0], $0xffff  }
0x43: {  	v63 =	vor.u32 s18, v6;
	_ =	sdelay $0x3  }
0x44: {  	[tilespmem:v11+s15+$0x0] =	vst.idx.msk vm0, v9  }
0x45: {  	s22 =	simm.s32 $0x1;
	v11 =	vor.u32 v7, v10;
	v9 =	vld.idx.msk [tilespmem:v63+s12+$0x0], $0xffff  }
0x46: {  	s23 =	simm.s32 $0x2;
	v10 =	vmov s22  }
.LBB2_4:
0x47: {  	p0 =	sne.s32 s23, $0xF  }
0x48: {  	v12 =	vor.u32 s22, v0;
	_ =	sdelay $0x1  }
0x49: {  	[tilespmem:v11+s15+$0x0] =	vst.idx.msk vm0, v9  }
0x4a: {  	v9 =	vld.idx.msk [tilespmem:v10+s4+$0x0], $0xffff  }
0x4b: {  	v10 =	vld.idx.msk [tilespmem:v10+s11+$0x0], $0xffff  }
0x4c: {  	v11 =	vld.idx.msk [tilespmem:v12+s12+$0x0], $0xffff;
	_ =	sdelay $0x3  }
0x4d: {  	v9 =	vsub.s32 v9, v8  }
0x4e: {  	vm0 =	vlt.u32 v9, $0x400;
	vm1 =	vgt.s32 v9, $0x0  }
0x4f: {  	v9 =	vnsel vm1, $0x0, v9  }
0x50: {  	v9 =	vmin.u32 v9, $0x3FF  }
0x51: {  	v12 =	vshll.u32 v9, $0x3  }
0x52: {  	vm1 =	vne.s32 v10, $0x0;
	v9 =	vand.u32 $0x7F, v9;
	v10 =	vand.u32 $0x1C00, v12  }
0x53: {  	vm0 =	vmand vm0, vm1;
	v10 =	vor.u32 v9, v10  }
0x54: {  	v9 =	vor.u32 v1, v10  }
0x55: {  	v12 =	vor.u32 s22, v2;
	_ =	sdelay $0x3  }
0x56: {  	[tilespmem:v9+s15+$0x0] =	vst.idx.msk vm0, v11  }
0x57: {  	v9 =	vld.idx.msk [tilespmem:v12+s12+$0x0], $0xffff  }
0x58: {  	v11 =	vor.u32 v3, v10  }
0x59: {  	v12 =	vor.u32 s22, v4;
	_ =	sdelay $0x3  }
0x5a: {  	[tilespmem:v11+s15+$0x0] =	vst.idx.msk vm0, v9  }
0x5b: {  	v9 =	vld.idx.msk [tilespmem:v12+s12+$0x0], $0xffff  }
0x5c: {  	v11 =	vor.u32 v5, v10  }
0x5d: {  	v12 =	vor.u32 s22, v6;
	s22 =	smov.u32 s23;
	_ =	sdelay $0x2  }
.Ltmp0:
0x5e: {  	(pc) =	sbr.rel @p0 .LBB2_4-.Ltmp0, $4  }
0x5f: {  	[tilespmem:v11+s15+$0x0] =	vst.idx.msk vm0, v9  }
0x60: {  	v9 =	vld.idx.msk [tilespmem:v12+s12+$0x0], $0xffff  }
0x61: {  	v11 =	vor.u32 v7, v10  }
0x62: {  	s23 =	sadd.s32 $0x1, s23;
	v10 =	vmov s22  }
0x63: {  	_ =	sdelay $0x4  }
0x64: {  	[tilespmem:v11+s15+$0x0] =	vst.idx.msk vm0, v9  }
0x65: {  	v9 =	vld.idx.msk [tilespmem:v10+s4+$0x0], $0xffff;
	_ =	sdelay $0x4  }
0x66: {  	v55 =	vld.idx.msk [tilespmem:v10+s11+$0x0], $0xffff;
	v8 =	vsub.s32 v9, v8  }
0x67: {  	vm14 =	vgt.s32 v8, $0x0  }
0x68: {  	v56 =	vor.u32 s22, v0;
	v57 =	vnsel vm14, $0x0, v8  }
0x69: {  	v11 =	vmin.u32 v57, $0x3FF  }
0x6a: {  	vm15 =	vlt.u32 v8, $0x400;
	v8 =	vshll.u32 v11, $0x3  }
0x6b: {  	vm1 =	vne.s32 v55, $0x0;
	v58 =	vand.u32 $0x7F, v11;
	v8 =	vand.u32 $0x1C00, v8  }
0x6c: {  	vm0 =	vmand vm15, vm1;
	v8 =	vor.u32 v58, v8  }
0x6d: {  	v9 =	vld.idx.msk [tilespmem:v56+s12+$0x0], $0xffff;
	v10 =	vor.u32 v1, v8  }
0x6e: {  	v59 =	vor.u32 s22, v2;
	_ =	sdelay $0x3  }
0x6f: {  	[tilespmem:v10+s15+$0x0] =	vst.idx.msk vm0, v9  }
0x70: {  	v60 =	vor.u32 v3, v8;
	v9 =	vld.idx.msk [tilespmem:v59+s12+$0x0], $0xffff  }
0x71: {  	v61 =	vor.u32 s22, v4;
	_ =	sdelay $0x3  }
0x72: {  	[tilespmem:v60+s15+$0x0] =	vst.idx.msk vm0, v9  }
0x73: {  	v62 =	vor.u32 v5, v8;
	v9 =	vld.idx.msk [tilespmem:v61+s12+$0x0], $0xffff  }
0x74: {  	v63 =	vor.u32 s22, v6;
	_ =	sdelay $0x3  }
0x75: {  	[tilespmem:v62+s15+$0x0] =	vst.idx.msk vm0, v9  }
0x76: {  	v8 =	vor.u32 v7, v8;
	v9 =	vld.idx.msk [tilespmem:v63+s12+$0x0], $0xffff;
	_ =	sdelay $0x2  }
0x77: {  	s20 =	sadd.s32 $0x1, s20  }
0x78: {  	p0 =	sne.s32 s20, $0x4  }
.Ltmp1:
0x79: {  	s21 =	sadd.s32 s3, s21;
	[tilespmem:v8+s15+$0x0] =	vst.idx.msk vm0, v9;
	(pc) =	sbr.rel @p0 .LBB2_3-.Ltmp1, $4  }
0x7a: {  	[hbm4b:s21+s13] =	stream.strided.scatter [tilespmem:s15], [sflag:$0x1], $0x10000, s14, s13, $0x38;
	[tilespmem:$0x12100] =	vst v63  }
0x7b: {  	_ =	swait.ge [sflag:s10], $0x10000  }
0x7c: {  	[sflag:s10] =	ssyncset.done $0x0  }
0x7d: {  	[sflag:s10] =	ssyncadd.s32 $0xFFFF0000  }
0x7e: {  	s17 =	sadd.s32 $0x1, s17  }
0x7f: {  	p0 =	sne.s32 s17, $0x8  }
.Ltmp2:
0x80: {  	_ = 	snop;
	(pc) =	sbr.rel @p0 .LBB2_2-.Ltmp2, $1  }
0x81: {  	_ =	sdelay $0x3  }
0x82: {  	s16 =	sadd.s32 $0x1, s16  }
0x83: {  	p0 =	sne.s32 s16, s9  }
.Ltmp3:
0x84: {  	_ = 	snop;
	(pc) =	sbr.rel @p0 .LBB2_1-.Ltmp3, $1  }
0x85: {  	_ =	sdelay $0x3  }
0x86: {  	_ =	sfence.sel $0x180000  }
0x87: {  	[bflag:$0x0] =	sbarrier.arrive $0xFFFF  }
0x88: {  	p0 =	sne.s32 s6, $0x0;
	_ =	strace $0x90000047  }
0x89: {  	s0 =	sadd.s32 @!p0 $0x100000, s2;
	[bflag:$0x2] =	sbarrier.arrive $0xFFFF  }
0x8a: {  	[sflag:s0] =	ssyncadd.tile.s32 @!p0 $0x1;
	_ =	shalt  }
.Lfunc_end2:
_tile_overlayer_lowered:
.L_overlay_start_2:
0x8b: {  	(tag) =	ssettag $0x2  }
0x8c: {  	s0 =	rddreg [dreg:$0x0];
	s2 =	stileid.u32  }
0x8d: {  	s1 =	rddreg [dreg:$0x1];
	p0 =	sne.s32 s2, $0x0  }
0x8e: {  	s3 =	rddreg [dreg:$0x2];
	[bflag:$0x3] =	sbarrier.arrive $0xFFFF;
	s2 =	simm.s32 @!p0 $0x1C01  }
0x8f: {  	[timem:s3], [sflag:s2] =	dma.local @!p0 [hbm:s0], s1  }
0x90: {  	s0 =	simm.s32 @!p0 $0x1  }
0x91: {  	_ =	swait.ge @!p0 [sflag:s0], s1  }
0x92: {  	s1 =	ssub.s32 @!p0 $0x0, s1;
	[sflag:s0] =	ssyncset.done @!p0 $0x0  }
0x93: {  	[sflag:s0] =	ssyncadd.s32 @!p0 s1  }
0x94: {  	[bflag:$0x3] =	sbarrier.arrive $0xFFFF  }
0x95: {  	_ =	shalt  }

</sc_bundles>
